<compile_context>
chip_gen: v7x
topology: tpu7x:2x2x1
jax: 0.10.2.dev20260603
libtpu: 0.0.44.dev20260713+nightly
codegen_flags: <defaults>
</compile_context>

<pallas_src>
import functools

import jax
import jax.numpy as jnp
from jax import lax
from jax.experimental import pallas as pl
from jax.experimental.pallas import tpu as pltpu
from jax.experimental.pallas import tpu_sc as plsc

_KB = 1024
_LANES = 128


def _topk_body(feat_ref, w_ref, aux_ref, items_ref,
               idx_ref,
               h_s, pmax_s, pj_s, *, n_b, n_k, nsteps, kb):
    k = pl.program_id(0)
    kbv = kb // _LANES

    @pl.when(k == 0)
    def _init():
        b = aux_ref[0:1, 0:16]
        gamma = aux_ref[1:2, 0:16]
        beta = aux_ref[2:3, 0:16]
        h = lax.dot_general(feat_ref[...], w_ref[...],
                            (((1,), (1,)), ((), ())),
                            preferred_element_type=jnp.float32) + b
        mu = jnp.mean(h, axis=0, keepdims=True)
        var = jnp.mean((h - mu) ** 2, axis=0, keepdims=True)
        h = (h - mu) / jnp.sqrt(var + 1e-5)
        h = gamma * h + beta
        h = jnp.where(h >= 0, h, 0.01 * h)
        h_s[...] = h
        pmax_s[...] = jnp.full((n_b, _LANES), -jnp.inf, jnp.float32)
        pj_s[...] = jnp.zeros((n_b, _LANES), jnp.int32)

    score = lax.dot_general(h_s[...], items_ref[...],
                            (((1,), (1,)), ((), ())),
                            preferred_element_type=jnp.float32)

    def _scan(s):
        pmax = pmax_s[...]
        pj = pj_s[...]
        for j in range(kbv):
            v = s[:, j * _LANES:(j + 1) * _LANES]
            c = v > pmax
            pmax = jnp.maximum(pmax, v)
            pj = jnp.where(c, k * kbv + j, pj)
        pmax_s[...] = pmax
        pj_s[...] = pj

    @pl.when(k < nsteps - 1)
    def _main():
        _scan(score)

    @pl.when(k == nsteps - 1)
    def _tail():
        colmask = lax.broadcasted_iota(jnp.int32, (1, kb), 1) < (n_k - k * kb)
        _scan(jnp.where(colmask, score, -jnp.inf))
        pmax = pmax_s[...]
        pj = pj_s[...]
        m = jnp.max(pmax, axis=1, keepdims=True)
        lane = lax.broadcasted_iota(jnp.int32, (n_b, _LANES), 1)
        cand = pj * _LANES + lane
        big = jnp.int32(2 ** 30)
        idx_ref[...] = jnp.min(jnp.where(pmax == m, cand, big),
                               axis=1, keepdims=True)


def _top1(item_feature, all_items, W, aux):
    n_b = item_feature.shape[0]
    n_k, d = all_items.shape
    nsteps = pl.cdiv(n_k, _KB)
    body = functools.partial(_topk_body, n_b=n_b, n_k=n_k,
                             nsteps=nsteps, kb=_KB)
    idx = pl.pallas_call(
        body,
        grid=(nsteps,),
        in_specs=[
            pl.BlockSpec((n_b, item_feature.shape[1]), lambda k: (0, 0)),
            pl.BlockSpec(W.shape, lambda k: (0, 0)),
            pl.BlockSpec(aux.shape, lambda k: (0, 0)),
            pl.BlockSpec((_KB, d), lambda k: (k, 0)),
        ],
        out_specs=pl.BlockSpec((n_b, 1), lambda k: (0, 0)),
        out_shape=jax.ShapeDtypeStruct((n_b, 1), jnp.int32),
        scratch_shapes=[
            pltpu.VMEM((n_b, d), jnp.float32),
            pltpu.VMEM((n_b, _LANES), jnp.float32),
            pltpu.VMEM((n_b, _LANES), jnp.int32),
        ],
    )(item_feature, W, aux, all_items)
    return idx


def _sc_gather(table, idx):
    info = plsc.get_sparse_core_info()
    nw = info.num_cores * info.num_subcores
    n = idx.shape[0]
    d = table.shape[1]
    b_per_w = n // nw
    mesh = plsc.VectorSubcoreMesh(core_axis_name="c", subcore_axis_name="s")

    @functools.partial(
        pl.kernel, mesh=mesh,
        compiler_params=pltpu.CompilerParams(use_tc_tiling_on_sc=False),
        out_type=jax.ShapeDtypeStruct((n, d), jnp.float32),
        scratch_types=[
            pltpu.VMEM((b_per_w,), jnp.int32),
            pltpu.VMEM((b_per_w, d), jnp.float32),
            pltpu.SemaphoreType.DMA,
        ],
    )
    def gather(table_hbm, idx_hbm, out_hbm, idx_v, rows_v, sem):
        wid = lax.axis_index("s") * info.num_cores + lax.axis_index("c")
        base = wid * b_per_w
        pltpu.sync_copy(idx_hbm.at[pl.ds(base, b_per_w)], idx_v)
        pltpu.async_copy(table_hbm.at[idx_v], rows_v, sem).wait()
        pltpu.sync_copy(rows_v, out_hbm.at[pl.ds(base, b_per_w)])

    return gather(table, idx)


def _cosine_body(orig_ref, sort_ref, loss_ref, mean_ref, *, n_b):
    eps = 1e-6
    o = orig_ref[...]
    s = sort_ref[...]
    dot = jnp.sum(o * s, axis=1, keepdims=True)
    na = jnp.sqrt(jnp.sum(o * o, axis=1, keepdims=True))
    nc = jnp.sqrt(jnp.sum(s * s, axis=1, keepdims=True))
    sim = dot / (jnp.maximum(na, eps) * jnp.maximum(nc, eps))
    sim = (sim + 1.0) * 0.5
    loss_ref[...] = jnp.mean((sim - 0.5) ** 2).reshape(1, 1)
    mean_ref[...] = jnp.mean(sim).reshape(1, 1)


def _cosine_loss(orig_feat, sort_feat):
    n_b, d = orig_feat.shape
    loss, mean = pl.pallas_call(
        functools.partial(_cosine_body, n_b=n_b),
        out_shape=[
            jax.ShapeDtypeStruct((1, 1), jnp.float32),
            jax.ShapeDtypeStruct((1, 1), jnp.float32),
        ],
    )(orig_feat, sort_feat)
    return loss.reshape(()), mean.reshape(())


def kernel(user_item_id, item_feature, all_items, W, b, gamma, beta):
    n_b = item_feature.shape[0]
    aux = jnp.zeros((8, W.shape[1]), jnp.float32)
    aux = aux.at[0, :16].set(b).at[1, :16].set(gamma).at[2, :16].set(beta)

    idx = _top1(item_feature, all_items, W, aux)
    sorted_items = idx.reshape(-1)

    cat_idx = jnp.concatenate([user_item_id[:, 1], sorted_items])
    feats = _sc_gather(all_items, cat_idx)
    orig_feat = feats[:n_b]
    sort_feat = feats[n_b:]
    similarity_loss, mean_sim = _cosine_loss(orig_feat, sort_feat)
    return (sorted_items, similarity_loss, mean_sim)

# --- scband reference (transcript-rebuilt; emitter-appended) ---
"""Pipeline reference for scband-regular-similar-25434796327143 (READ-ONLY COPY).

The authoritative reference and input builder live on the scoring server;
editing this copy changes nothing except your own understanding.
"""

import jax, jax.numpy as jnp
import numpy as np

B = 1024
K = 100000
D = 16


def setup_inputs(seed: int = 0) -> dict:
    key = jax.random.key(seed)
    k1, k2, k3, k4, k5 = jax.random.split(key, 5)
    user_item_id = jax.random.randint(k1, (B, 2), 0, K, dtype=jnp.int32)
    item_feature = jax.random.normal(k2, (B, 2 * D), dtype=jnp.float32)
    all_items = jax.random.normal(k3, (K, D), dtype=jnp.float32)
    # nn.Linear(2*D, D) params
    W = jax.random.normal(k4, (D, 2 * D), dtype=jnp.float32) * (1.0 / np.sqrt(2 * D))
    b = jax.random.normal(k5, (D,), dtype=jnp.float32) * 0.01
    # BatchNorm1d affine params
    gamma = jnp.ones((D,), dtype=jnp.float32)
    beta = jnp.zeros((D,), dtype=jnp.float32)
    return {"user_item_id": user_item_id, "item_feature": item_feature,
            "all_items": all_items, "W": W, "b": b, "gamma": gamma, "beta": beta}


def _cosine(a, c, eps=1e-6):
    dot = jnp.sum(a * c, axis=1)
    na = jnp.sqrt(jnp.sum(a * a, axis=1))
    nc = jnp.sqrt(jnp.sum(c * c, axis=1))
    return dot / (jnp.maximum(na, eps) * jnp.maximum(nc, eps))


def reference(user_item_id, item_feature, all_items, W, b, gamma, beta):
    similarity_ratio = 0.5
    # user_item_feature: Linear -> BatchNorm1d (training-mode batch stats) -> LeakyReLU
    h = item_feature @ W.T + b
    mu = jnp.mean(h, axis=0)
    var = jnp.var(h, axis=0)
    h = (h - mu) / jnp.sqrt(var + 1e-5)
    h = gamma * h + beta
    h = jnp.where(h >= 0, h, 0.01 * h)  # LeakyReLU(0.01)
    # replace_score = user_item_feature @ all_items.T, then top-1
    replace_score = h @ all_items.T  # [B, K]
    top_vals, top_idx = jax.lax.top_k(replace_score, 1)  # [B, 1]
    # calculate_similar_loss
    original_items = user_item_id[:, 1]
    sorted_items = top_idx.reshape(-1)
    orig_feat = jnp.take(all_items, original_items, axis=0)
    sort_feat = jnp.take(all_items, sorted_items, axis=0)
    similarity = _cosine(orig_feat, sort_feat)
    similarity = (similarity + 1.0) / 2.0  # regularize_similarity
    labels = jnp.full((B,), similarity_ratio, dtype=jnp.float32)
    # MarginLoss (not defined in source) modeled as mean squared error margin
    similarity_loss = jnp.mean((similarity - labels) ** 2)
    replaceable_items = sorted_items
    return (replaceable_items, similarity_loss, jnp.mean(similarity))

if __name__ == "__main__":
    import jax
    _d = setup_inputs()
    print(jax.jit(kernel)(*tuple(_d.values())))

</pallas_src>

<mosaic_0001>
#map = affine_map<(d0, d1) -> (0, 0)>
#map1 = affine_map<(d0, d1) -> (0)>
module attributes {stable_mosaic.version = 14 : i64} {
  func.func @gather(%arg0: i32, %arg1: i32, %arg2: memref<100000x16xf32, #tpu.memory_space<hbm>>, %arg3: memref<2048xi32, #tpu.memory_space<hbm>>, %arg4: memref<2048x16xf32, #tpu.memory_space<hbm>>, %arg5: memref<64xi32, #tpu.memory_space<vmem>>, %arg6: memref<64x16xf32, #tpu.memory_space<vmem>>, %arg7: memref<!tpu.dma_semaphore, #tpu.memory_space<semaphore_mem>>) attributes {dimension_semantics = [#tpu.dimension_semantics<core_parallel>, #tpu.dimension_semantics<subcore_parallel>], iteration_bounds = array<i64: 2, 16>, scalar_prefetch = 0 : i64, scratch_operands = 3 : i64, tpu.core_type = #tpu.core_type<sc_vector_subcore>, window_params = [{transform_indices = #map}, {transform_indices = #map1}, {transform_indices = #map}]} {
    %mul3A = arith.constant 2 : i32
    %mul3A_0 = arith.muli %arg1, %mul3A : i32
    %add3A = arith.addi %mul3A_0, %arg0 : i32
    %mul3A_1 = arith.constant 64 : i32
    %mul3A_2 = arith.muli %add3A, %mul3A_1 : i32
    "tpu.region"() ({
      %run_scoped3A = tpu.sem_alloc : memref<!tpu.dma_semaphore, #tpu.memory_space<semaphore_mem>>
      %dma_start3A_7 = tpu.memref_slice %arg3[%mul3A_2] : memref<2048xi32, #tpu.memory_space<hbm>> -> memref<64xi32, #tpu.memory_space<hbm>>
      %dma_start3A_8 = tpu.memref_slice %arg3[%mul3A_2] : memref<2048xi32, #tpu.memory_space<hbm>> -> memref<64xi32, #tpu.memory_space<hbm>>
      tpu.enqueue_dma source(%dma_start3A_8 : memref<64xi32, #tpu.memory_space<hbm>>) target(%arg5 : memref<64xi32, #tpu.memory_space<vmem>>) target_semaphore(%run_scoped3A : memref<!tpu.dma_semaphore, #tpu.memory_space<semaphore_mem>>)
      %dma_wait3A_9 = tpu.memref_slice %arg3[%mul3A_2] : memref<2048xi32, #tpu.memory_space<hbm>> -> memref<64xi32, #tpu.memory_space<hbm>>
      %dma_wait3A_10 = tpu.memref_slice %arg3[%mul3A_2] : memref<2048xi32, #tpu.memory_space<hbm>> -> memref<64xi32, #tpu.memory_space<hbm>>
      tpu.wait_dma2 semaphore(%run_scoped3A : memref<!tpu.dma_semaphore, #tpu.memory_space<semaphore_mem>>) src(%dma_wait3A_10 : memref<64xi32, #tpu.memory_space<hbm>>) dst(%arg5 : memref<64xi32, #tpu.memory_space<vmem>>)
      tpu.yield
    }) : () -> ()
    %dma_start3A = arith.constant 0 : i32
    %dma_start3A_3 = arith.constant 0 : i32
    %dma_start3A_4 = tpu.memref_slice %arg2[%dma_start3A, %dma_start3A_3] : memref<100000x16xf32, #tpu.memory_space<hbm>> -> memref<100000x16xf32, #tpu.memory_space<hbm>>
    tpu.enqueue_indirect_dma source(%dma_start3A_4 : memref<100000x16xf32, #tpu.memory_space<hbm>>) target(%arg6 : memref<64x16xf32, #tpu.memory_space<vmem>>) offsets(%arg5 : memref<64xi32, #tpu.memory_space<vmem>>) semaphore(%arg7 : memref<!tpu.dma_semaphore, #tpu.memory_space<semaphore_mem>>)
    %dma_wait3A = arith.constant 0 : i32
    %dma_wait3A_5 = arith.constant 0 : i32
    %dma_wait3A_6 = tpu.memref_slice %arg2[%dma_wait3A, %dma_wait3A_5] : memref<100000x16xf32, #tpu.memory_space<hbm>> -> memref<100000x16xf32, #tpu.memory_space<hbm>>
    tpu.wait_indirect_dma semaphore(%arg7 : memref<!tpu.dma_semaphore, #tpu.memory_space<semaphore_mem>>) src(%dma_wait3A_6 : memref<100000x16xf32, #tpu.memory_space<hbm>>) dst(%arg6 : memref<64x16xf32, #tpu.memory_space<vmem>>)
    "tpu.region"() ({
      %run_scoped3A = tpu.sem_alloc : memref<!tpu.dma_semaphore, #tpu.memory_space<semaphore_mem>>
      %dma_start3A_7 = arith.constant 0 : i32
      %dma_start3A_8 = tpu.memref_slice %arg4[%mul3A_2, %dma_start3A_7] : memref<2048x16xf32, #tpu.memory_space<hbm>> -> memref<64x16xf32, #tpu.memory_space<hbm>>
      %dma_start3A_9 = arith.constant 0 : i32
      %dma_start3A_10 = tpu.memref_slice %arg4[%mul3A_2, %dma_start3A_9] : memref<2048x16xf32, #tpu.memory_space<hbm>> -> memref<64x16xf32, #tpu.memory_space<hbm>>
      tpu.enqueue_dma source(%arg6 : memref<64x16xf32, #tpu.memory_space<vmem>>) target(%dma_start3A_10 : memref<64x16xf32, #tpu.memory_space<hbm>>) target_semaphore(%run_scoped3A : memref<!tpu.dma_semaphore, #tpu.memory_space<semaphore_mem>>)
      %dma_wait3A_11 = arith.constant 0 : i32
      %dma_wait3A_12 = tpu.memref_slice %arg4[%mul3A_2, %dma_wait3A_11] : memref<2048x16xf32, #tpu.memory_space<hbm>> -> memref<64x16xf32, #tpu.memory_space<hbm>>
      %dma_wait3A_13 = arith.constant 0 : i32
      %dma_wait3A_14 = tpu.memref_slice %arg4[%mul3A_2, %dma_wait3A_13] : memref<2048x16xf32, #tpu.memory_space<hbm>> -> memref<64x16xf32, #tpu.memory_space<hbm>>
      tpu.wait_dma2 semaphore(%run_scoped3A : memref<!tpu.dma_semaphore, #tpu.memory_space<semaphore_mem>>) src(%arg6 : memref<64x16xf32, #tpu.memory_space<vmem>>) dst(%dma_wait3A_14 : memref<64x16xf32, #tpu.memory_space<hbm>>)
      tpu.yield
    }) : () -> ()
    return
  }
}

module attributes {stable_mosaic.version = 14 : i64} {
  func.func @_topk_body(%arg0: i32, %arg1: memref<1024x32xf32, #tpu.memory_space<vmem>>, %arg2: memref<16x32xf32, #tpu.memory_space<vmem>>, %arg3: memref<8x32xf32, #tpu.memory_space<vmem>>, %arg4: memref<1024x16xf32, #tpu.memory_space<vmem>>, %arg5: memref<1024x1xi32, #tpu.memory_space<vmem>>, %arg6: memref<1024x16xf32, #tpu.memory_space<vmem>>, %arg7: memref<1024x128xf32, #tpu.memory_space<vmem>>, %arg8: memref<1024x128xi32, #tpu.memory_space<vmem>>) attributes {dimension_semantics = [#tpu.dimension_semantics<arbitrary>], iteration_bounds = array<i64: 98>, scalar_prefetch = 0 : i64, scratch_operands = 3 : i64, tpu.core_type = #tpu.core_type<tc>, window_params = [{pipeline_mode = #tpu.pipeline_mode<synchronous>, transform_indices = @transform_0, window_bounds = array<i64: 1024, 32>}, {pipeline_mode = #tpu.pipeline_mode<synchronous>, transform_indices = @transform_1, window_bounds = array<i64: 16, 32>}, {pipeline_mode = #tpu.pipeline_mode<synchronous>, transform_indices = @transform_2, window_bounds = array<i64: 8, 32>}, {transform_indices = @transform_3, window_bounds = array<i64: 1024, 16>}, {pipeline_mode = #tpu.pipeline_mode<synchronous>, transform_indices = @transform_4, window_bounds = array<i64: 1024, 1>}]} {
    %eq3A = arith.constant 0 : i32
    %eq3A_0 = arith.cmpi eq, %arg0, %eq3A : i32
    %convert_element_type3A = arith.extui %eq3A_0 : i1 to i32
    %cond3A = arith.constant 0 : i32
    %cond3A_1 = arith.cmpi ne, %convert_element_type3A, %cond3A : i32
    scf.if %cond3A_1 {
      %get3A_17 = arith.constant 0 : index
      %get3A_18 = arith.constant 0 : index
      %get3A_19 = vector.load %arg3[%get3A_17, %get3A_18] : memref<8x32xf32, #tpu.memory_space<vmem>>, vector<1x16xf32>
      %get3A_20 = arith.constant 1 : index
      %get3A_21 = arith.constant 0 : index
      %get3A_22 = vector.load %arg3[%get3A_20, %get3A_21] : memref<8x32xf32, #tpu.memory_space<vmem>>, vector<1x16xf32>
      %get3A_23 = arith.constant 2 : index
      %get3A_24 = arith.constant 0 : index
      %get3A_25 = vector.load %arg3[%get3A_23, %get3A_24] : memref<8x32xf32, #tpu.memory_space<vmem>>, vector<1x16xf32>
      %get3A_26 = arith.constant 0 : index
      %get3A_27 = arith.constant 0 : index
      %get3A_28 = vector.load %arg1[%get3A_26, %get3A_27] : memref<1024x32xf32, #tpu.memory_space<vmem>>, vector<1024x32xf32>
      %get3A_29 = arith.constant 0 : index
      %get3A_30 = arith.constant 0 : index
      %get3A_31 = vector.load %arg2[%get3A_29, %get3A_30] : memref<16x32xf32, #tpu.memory_space<vmem>>, vector<16x32xf32>
      %dot_general3A_32 = arith.constant dense<0.000000e+00> : vector<1024x16xf32>
      %dot_general3A_33 = tpu.matmul %get3A_28, %get3A_31, %dot_general3A_32 {dimension_numbers = #tpu.dot_dimension_numbers<[1], [1], [0], [0], [0, 0, 1, 0], [], []>, transpose_lhs_hint = false} : vector<1024x32xf32>, vector<16x32xf32>, vector<1024x16xf32> -> vector<1024x16xf32>
      %add3A = vector.broadcast %get3A_19 : vector<1x16xf32> to vector<1024x16xf32>
      %add3A_34 = arith.addf %dot_general3A_33, %add3A : vector<1024x16xf32>
      %reduce_sum3A = arith.constant dense<0.000000e+00> : vector<16xf32>
      %reduce_sum3A_35 = vector.multi_reduction <add>, %add3A_34, %reduce_sum3A [0] : vector<1024x16xf32> to vector<16xf32>
      %broadcast_in_dim3A = vector.shape_cast %reduce_sum3A_35 : vector<16xf32> to vector<1x16xf32>
      %div3A = arith.constant 1.024000e+03 : f32
      %div3A_36 = vector.broadcast %div3A : f32 to vector<1x16xf32>
      %div3A_37 = arith.divf %broadcast_in_dim3A, %div3A_36 : vector<1x16xf32>
      %sub3A = vector.broadcast %div3A_37 : vector<1x16xf32> to vector<1024x16xf32>
      %sub3A_38 = arith.subf %add3A_34, %sub3A : vector<1024x16xf32>
      %integer_pow3A = arith.mulf %sub3A_38, %sub3A_38 : vector<1024x16xf32>
      %reduce_sum3A_39 = arith.constant dense<0.000000e+00> : vector<16xf32>
      %reduce_sum3A_40 = vector.multi_reduction <add>, %integer_pow3A, %reduce_sum3A_39 [0] : vector<1024x16xf32> to vector<16xf32>
      %broadcast_in_dim3A_41 = vector.shape_cast %reduce_sum3A_40 : vector<16xf32> to vector<1x16xf32>
      %div3A_42 = arith.constant 1.024000e+03 : f32
      %div3A_43 = vector.broadcast %div3A_42 : f32 to vector<1x16xf32>
      %div3A_44 = arith.divf %broadcast_in_dim3A_41, %div3A_43 : vector<1x16xf32>
      %sub3A_45 = vector.broadcast %div3A_37 : vector<1x16xf32> to vector<1024x16xf32>
      %sub3A_46 = arith.subf %add3A_34, %sub3A_45 : vector<1024x16xf32>
      %add3A_47 = arith.constant 9.99999974E-6 : f32
      %add3A_48 = vector.broadcast %add3A_47 : f32 to vector<1x16xf32>
      %add3A_49 = arith.addf %div3A_44, %add3A_48 : vector<1x16xf32>
      %sqrt3A = math.sqrt %add3A_49 : vector<1x16xf32>
      %div3A_50 = vector.broadcast %sqrt3A : vector<1x16xf32> to vector<1024x16xf32>
      %div3A_51 = arith.divf %sub3A_46, %div3A_50 : vector<1024x16xf32>
      %mul3A = vector.broadcast %get3A_22 : vector<1x16xf32> to vector<1024x16xf32>
      %mul3A_52 = arith.mulf %mul3A, %div3A_51 : vector<1024x16xf32>
      %add3A_53 = vector.broadcast %get3A_25 : vector<1x16xf32> to vector<1024x16xf32>
      %add3A_54 = arith.addf %mul3A_52, %add3A_53 : vector<1024x16xf32>
      %ge3A = arith.constant 0.000000e+00 : f32
      %ge3A_55 = vector.broadcast %ge3A : f32 to vector<1024x16xf32>
      %ge3A_56 = arith.cmpf oge, %add3A_54, %ge3A_55 : vector<1024x16xf32>
      %mul3A_57 = arith.constant 0.00999999977 : f32
      %mul3A_58 = vector.broadcast %mul3A_57 : f32 to vector<1024x16xf32>
      %mul3A_59 = arith.mulf %mul3A_58, %add3A_54 : vector<1024x16xf32>
      %select_n3A = arith.select %ge3A_56, %add3A_54, %mul3A_59 : vector<1024x16xi1>, vector<1024x16xf32>
      %swap3A = arith.constant 0 : index
      %swap3A_60 = arith.constant 0 : index
      %swap3A_61 = vector.load %arg6[%swap3A, %swap3A_60] : memref<1024x16xf32, #tpu.memory_space<vmem>>, vector<1024x16xf32>
      tpu.vector_store %arg6[%swap3A, %swap3A_60], %select_n3A {strides = array<i32>} : memref<1024x16xf32, #tpu.memory_space<vmem>>, vector<1024x16xf32>,
      %broadcast_in_dim3A_62 = arith.constant 0xFF800000 : f32
      %broadcast_in_dim3A_63 = vector.broadcast %broadcast_in_dim3A_62 : f32 to vector<1024x128xf32>
      %swap3A_64 = arith.constant 0 : index
      %swap3A_65 = arith.constant 0 : index
      %swap3A_66 = vector.load %arg7[%swap3A_64, %swap3A_65] : memref<1024x128xf32, #tpu.memory_space<vmem>>, vector<1024x128xf32>
      tpu.vector_store %arg7[%swap3A_64, %swap3A_65], %broadcast_in_dim3A_63 {strides = array<i32>} : memref<1024x128xf32, #tpu.memory_space<vmem>>, vector<1024x128xf32>,
      %broadcast_in_dim3A_67 = arith.constant 0 : i32
      %broadcast_in_dim3A_68 = vector.broadcast %broadcast_in_dim3A_67 : i32 to vector<1024x128xi32>
      %swap3A_69 = arith.constant 0 : index
      %swap3A_70 = arith.constant 0 : index
      %swap3A_71 = vector.load %arg8[%swap3A_69, %swap3A_70] : memref<1024x128xi32, #tpu.memory_space<vmem>>, vector<1024x128xi32>
      tpu.vector_store %arg8[%swap3A_69, %swap3A_70], %broadcast_in_dim3A_68 {strides = array<i32>} : memref<1024x128xi32, #tpu.memory_space<vmem>>, vector<1024x128xi32>,
    } else {
    }
    %get3A = arith.constant 0 : index
    %get3A_2 = arith.constant 0 : index
    %get3A_3 = vector.load %arg6[%get3A, %get3A_2] : memref<1024x16xf32, #tpu.memory_space<vmem>>, vector<1024x16xf32>
    %get3A_4 = arith.constant 0 : index
    %get3A_5 = arith.constant 0 : index
    %get3A_6 = vector.load %arg4[%get3A_4, %get3A_5] : memref<1024x16xf32, #tpu.memory_space<vmem>>, vector<1024x16xf32>
    %dot_general3A = arith.constant dense<0.000000e+00> : vector<1024x1024xf32>
    %dot_general3A_7 = tpu.matmul %get3A_3, %get3A_6, %dot_general3A {dimension_numbers = #tpu.dot_dimension_numbers<[1], [1], [0], [0], [0, 0, 1, 0], [], []>, transpose_lhs_hint = false} : vector<1024x16xf32>, vector<1024x16xf32>, vector<1024x1024xf32> -> vector<1024x1024xf32>
    %lt3A = arith.constant 97 : i32
    %lt3A_8 = arith.cmpi slt, %arg0, %lt3A : i32
    %convert_element_type3A_9 = arith.extui %lt3A_8 : i1 to i32
    %cond3A_10 = arith.constant 0 : i32
    %cond3A_11 = arith.cmpi ne, %convert_element_type3A_9, %cond3A_10 : i32
    scf.if %cond3A_11 {
      %get3A_17 = arith.constant 0 : index
      %get3A_18 = arith.constant 0 : index
      %get3A_19 = vector.load %arg7[%get3A_17, %get3A_18] : memref<1024x128xf32, #tpu.memory_space<vmem>>, vector<1024x128xf32>
      %get3A_20 = arith.constant 0 : index
      %get3A_21 = arith.constant 0 : index
      %get3A_22 = vector.load %arg8[%get3A_20, %get3A_21] : memref<1024x128xi32, #tpu.memory_space<vmem>>, vector<1024x128xi32>
      %slice3A = vector.extract_strided_slice %dot_general3A_7 {offsets = [0, 0], sizes = [1024, 128], strides = [1, 1]} : vector<1024x1024xf32> to vector<1024x128xf32>
      %gt3A = arith.cmpf ogt, %slice3A, %get3A_19 : vector<1024x128xf32>
      %max3A = arith.maximumf %get3A_19, %slice3A : vector<1024x128xf32>
      %mul3A = arith.constant 8 : i32
      %mul3A_23 = arith.muli %arg0, %mul3A : i32
      %add3A = arith.constant 0 : i32
      %add3A_24 = arith.addi %mul3A_23, %add3A : i32
      %broadcast_in_dim3A = vector.broadcast %add3A_24 : i32 to vector<1024x128xi32>
      %select_n3A = arith.select %gt3A, %broadcast_in_dim3A, %get3A_22 : vector<1024x128xi1>, vector<1024x128xi32>
      %slice3A_25 = vector.extract_strided_slice %dot_general3A_7 {offsets = [0, 128], sizes = [1024, 128], strides = [1, 1]} : vector<1024x1024xf32> to vector<1024x128xf32>
      %gt3A_26 = arith.cmpf ogt, %slice3A_25, %max3A : vector<1024x128xf32>
      %max3A_27 = arith.maximumf %max3A, %slice3A_25 : vector<1024x128xf32>
      %mul3A_28 = arith.constant 8 : i32
      %mul3A_29 = arith.muli %arg0, %mul3A_28 : i32
      %add3A_30 = arith.constant 1 : i32
      %add3A_31 = arith.addi %mul3A_29, %add3A_30 : i32
      %broadcast_in_dim3A_32 = vector.broadcast %add3A_31 : i32 to vector<1024x128xi32>
      %select_n3A_33 = arith.select %gt3A_26, %broadcast_in_dim3A_32, %select_n3A : vector<1024x128xi1>, vector<1024x128xi32>
      %slice3A_34 = vector.extract_strided_slice %dot_general3A_7 {offsets = [0, 256], sizes = [1024, 128], strides = [1, 1]} : vector<1024x1024xf32> to vector<1024x128xf32>
      %gt3A_35 = arith.cmpf ogt, %slice3A_34, %max3A_27 : vector<1024x128xf32>
      %max3A_36 = arith.maximumf %max3A_27, %slice3A_34 : vector<1024x128xf32>
      %mul3A_37 = arith.constant 8 : i32
      %mul3A_38 = arith.muli %arg0, %mul3A_37 : i32
      %add3A_39 = arith.constant 2 : i32
      %add3A_40 = arith.addi %mul3A_38, %add3A_39 : i32
      %broadcast_in_dim3A_41 = vector.broadcast %add3A_40 : i32 to vector<1024x128xi32>
      %select_n3A_42 = arith.select %gt3A_35, %broadcast_in_dim3A_41, %select_n3A_33 : vector<1024x128xi1>, vector<1024x128xi32>
      %slice3A_43 = vector.extract_strided_slice %dot_general3A_7 {offsets = [0, 384], sizes = [1024, 128], strides = [1, 1]} : vector<1024x1024xf32> to vector<1024x128xf32>
      %gt3A_44 = arith.cmpf ogt, %slice3A_43, %max3A_36 : vector<1024x128xf32>
      %max3A_45 = arith.maximumf %max3A_36, %slice3A_43 : vector<1024x128xf32>
      %mul3A_46 = arith.constant 8 : i32
      %mul3A_47 = arith.muli %arg0, %mul3A_46 : i32
      %add3A_48 = arith.constant 3 : i32
      %add3A_49 = arith.addi %mul3A_47, %add3A_48 : i32
      %broadcast_in_dim3A_50 = vector.broadcast %add3A_49 : i32 to vector<1024x128xi32>
      %select_n3A_51 = arith.select %gt3A_44, %broadcast_in_dim3A_50, %select_n3A_42 : vector<1024x128xi1>, vector<1024x128xi32>
      %slice3A_52 = vector.extract_strided_slice %dot_general3A_7 {offsets = [0, 512], sizes = [1024, 128], strides = [1, 1]} : vector<1024x1024xf32> to vector<1024x128xf32>
      %gt3A_53 = arith.cmpf ogt, %slice3A_52, %max3A_45 : vector<1024x128xf32>
      %max3A_54 = arith.maximumf %max3A_45, %slice3A_52 : vector<1024x128xf32>
      %mul3A_55 = arith.constant 8 : i32
      %mul3A_56 = arith.muli %arg0, %mul3A_55 : i32
      %add3A_57 = arith.constant 4 : i32
      %add3A_58 = arith.addi %mul3A_56, %add3A_57 : i32
      %broadcast_in_dim3A_59 = vector.broadcast %add3A_58 : i32 to vector<1024x128xi32>
      %select_n3A_60 = arith.select %gt3A_53, %broadcast_in_dim3A_59, %select_n3A_51 : vector<1024x128xi1>, vector<1024x128xi32>
      %slice3A_61 = vector.extract_strided_slice %dot_general3A_7 {offsets = [0, 640], sizes = [1024, 128], strides = [1, 1]} : vector<1024x1024xf32> to vector<1024x128xf32>
      %gt3A_62 = arith.cmpf ogt, %slice3A_61, %max3A_54 : vector<1024x128xf32>
      %max3A_63 = arith.maximumf %max3A_54, %slice3A_61 : vector<1024x128xf32>
      %mul3A_64 = arith.constant 8 : i32
      %mul3A_65 = arith.muli %arg0, %mul3A_64 : i32
      %add3A_66 = arith.constant 5 : i32
      %add3A_67 = arith.addi %mul3A_65, %add3A_66 : i32
      %broadcast_in_dim3A_68 = vector.broadcast %add3A_67 : i32 to vector<1024x128xi32>
      %select_n3A_69 = arith.select %gt3A_62, %broadcast_in_dim3A_68, %select_n3A_60 : vector<1024x128xi1>, vector<1024x128xi32>
      %slice3A_70 = vector.extract_strided_slice %dot_general3A_7 {offsets = [0, 768], sizes = [1024, 128], strides = [1, 1]} : vector<1024x1024xf32> to vector<1024x128xf32>
      %gt3A_71 = arith.cmpf ogt, %slice3A_70, %max3A_63 : vector<1024x128xf32>
      %max3A_72 = arith.maximumf %max3A_63, %slice3A_70 : vector<1024x128xf32>
      %mul3A_73 = arith.constant 8 : i32
      %mul3A_74 = arith.muli %arg0, %mul3A_73 : i32
      %add3A_75 = arith.constant 6 : i32
      %add3A_76 = arith.addi %mul3A_74, %add3A_75 : i32
      %broadcast_in_dim3A_77 = vector.broadcast %add3A_76 : i32 to vector<1024x128xi32>
      %select_n3A_78 = arith.select %gt3A_71, %broadcast_in_dim3A_77, %select_n3A_69 : vector<1024x128xi1>, vector<1024x128xi32>
      %slice3A_79 = vector.extract_strided_slice %dot_general3A_7 {offsets = [0, 896], sizes = [1024, 128], strides = [1, 1]} : vector<1024x1024xf32> to vector<1024x128xf32>
      %gt3A_80 = arith.cmpf ogt, %slice3A_79, %max3A_72 : vector<1024x128xf32>
      %max3A_81 = arith.maximumf %max3A_72, %slice3A_79 : vector<1024x128xf32>
      %mul3A_82 = arith.constant 8 : i32
      %mul3A_83 = arith.muli %arg0, %mul3A_82 : i32
      %add3A_84 = arith.constant 7 : i32
      %add3A_85 = arith.addi %mul3A_83, %add3A_84 : i32
      %broadcast_in_dim3A_86 = vector.broadcast %add3A_85 : i32 to vector<1024x128xi32>
      %select_n3A_87 = arith.select %gt3A_80, %broadcast_in_dim3A_86, %select_n3A_78 : vector<1024x128xi1>, vector<1024x128xi32>
      %swap3A = arith.constant 0 : index
      %swap3A_88 = arith.constant 0 : index
      %swap3A_89 = vector.load %arg7[%swap3A, %swap3A_88] : memref<1024x128xf32, #tpu.memory_space<vmem>>, vector<1024x128xf32>
      tpu.vector_store %arg7[%swap3A, %swap3A_88], %max3A_81 {strides = array<i32>} : memref<1024x128xf32, #tpu.memory_space<vmem>>, vector<1024x128xf32>,
      %swap3A_90 = arith.constant 0 : index
      %swap3A_91 = arith.constant 0 : index
      %swap3A_92 = vector.load %arg8[%swap3A_90, %swap3A_91] : memref<1024x128xi32, #tpu.memory_space<vmem>>, vector<1024x128xi32>
      tpu.vector_store %arg8[%swap3A_90, %swap3A_91], %select_n3A_87 {strides = array<i32>} : memref<1024x128xi32, #tpu.memory_space<vmem>>, vector<1024x128xi32>,
    } else {
    }
    %eq3A_12 = arith.constant 97 : i32
    %eq3A_13 = arith.cmpi eq, %arg0, %eq3A_12 : i32
    %convert_element_type3A_14 = arith.extui %eq3A_13 : i1 to i32
    %cond3A_15 = arith.constant 0 : i32
    %cond3A_16 = arith.cmpi ne, %convert_element_type3A_14, %cond3A_15 : i32
    scf.if %cond3A_16 {
      %iota3A = tpu.iota {dimensions = array<i32: 1>} : vector<1x1024xi32>
      %mul3A = arith.constant 1024 : i32
      %mul3A_17 = arith.muli %arg0, %mul3A : i32
      %sub3A = arith.constant 100000 : i32
      %sub3A_18 = arith.subi %sub3A, %mul3A_17 : i32
      %lt3A_19 = vector.broadcast %sub3A_18 : i32 to vector<1x1024xi32>
      %lt3A_20 = arith.cmpi slt, %iota3A, %lt3A_19 : vector<1x1024xi32>
      %jit3A = arith.constant 0xFF800000 : f32
      %broadcast_in_dim3A = vector.shape_cast %lt3A_20 : vector<1x1024xi1> to vector<1x1024xi1>
      %broadcast_in_dim3A_21 = vector.broadcast %broadcast_in_dim3A : vector<1x1024xi1> to vector<1024x1024xi1>
      %broadcast_in_dim3A_22 = vector.broadcast %jit3A : f32 to vector<1024x1024xf32>
      %select_n3A = arith.select %broadcast_in_dim3A_21, %dot_general3A_7, %broadcast_in_dim3A_22 : vector<1024x1024xi1>, vector<1024x1024xf32>
      %get3A_23 = arith.constant 0 : index
      %get3A_24 = arith.constant 0 : index
      %get3A_25 = vector.load %arg7[%get3A_23, %get3A_24] : memref<1024x128xf32, #tpu.memory_space<vmem>>, vector<1024x128xf32>
      %get3A_26 = arith.constant 0 : index
      %get3A_27 = arith.constant 0 : index
      %get3A_28 = vector.load %arg8[%get3A_26, %get3A_27] : memref<1024x128xi32, #tpu.memory_space<vmem>>, vector<1024x128xi32>
      %slice3A = vector.extract_strided_slice %select_n3A {offsets = [0, 0], sizes = [1024, 128], strides = [1, 1]} : vector<1024x1024xf32> to vector<1024x128xf32>
      %gt3A = arith.cmpf ogt, %slice3A, %get3A_25 : vector<1024x128xf32>
      %max3A = arith.maximumf %get3A_25, %slice3A : vector<1024x128xf32>
      %mul3A_29 = arith.constant 8 : i32
      %mul3A_30 = arith.muli %arg0, %mul3A_29 : i32
      %add3A = arith.constant 0 : i32
      %add3A_31 = arith.addi %mul3A_30, %add3A : i32
      %broadcast_in_dim3A_32 = vector.broadcast %add3A_31 : i32 to vector<1024x128xi32>
      %select_n3A_33 = arith.select %gt3A, %broadcast_in_dim3A_32, %get3A_28 : vector<1024x128xi1>, vector<1024x128xi32>
      %slice3A_34 = vector.extract_strided_slice %select_n3A {offsets = [0, 128], sizes = [1024, 128], strides = [1, 1]} : vector<1024x1024xf32> to vector<1024x128xf32>
      %gt3A_35 = arith.cmpf ogt, %slice3A_34, %max3A : vector<1024x128xf32>
      %max3A_36 = arith.maximumf %max3A, %slice3A_34 : vector<1024x128xf32>
      %mul3A_37 = arith.constant 8 : i32
      %mul3A_38 = arith.muli %arg0, %mul3A_37 : i32
      %add3A_39 = arith.constant 1 : i32
      %add3A_40 = arith.addi %mul3A_38, %add3A_39 : i32
      %broadcast_in_dim3A_41 = vector.broadcast %add3A_40 : i32 to vector<1024x128xi32>
      %select_n3A_42 = arith.select %gt3A_35, %broadcast_in_dim3A_41, %select_n3A_33 : vector<1024x128xi1>, vector<1024x128xi32>
      %slice3A_43 = vector.extract_strided_slice %select_n3A {offsets = [0, 256], sizes = [1024, 128], strides = [1, 1]} : vector<1024x1024xf32> to vector<1024x128xf32>
      %gt3A_44 = arith.cmpf ogt, %slice3A_43, %max3A_36 : vector<1024x128xf32>
      %max3A_45 = arith.maximumf %max3A_36, %slice3A_43 : vector<1024x128xf32>
      %mul3A_46 = arith.constant 8 : i32
      %mul3A_47 = arith.muli %arg0, %mul3A_46 : i32
      %add3A_48 = arith.constant 2 : i32
      %add3A_49 = arith.addi %mul3A_47, %add3A_48 : i32
      %broadcast_in_dim3A_50 = vector.broadcast %add3A_49 : i32 to vector<1024x128xi32>
      %select_n3A_51 = arith.select %gt3A_44, %broadcast_in_dim3A_50, %select_n3A_42 : vector<1024x128xi1>, vector<1024x128xi32>
      %slice3A_52 = vector.extract_strided_slice %select_n3A {offsets = [0, 384], sizes = [1024, 128], strides = [1, 1]} : vector<1024x1024xf32> to vector<1024x128xf32>
      %gt3A_53 = arith.cmpf ogt, %slice3A_52, %max3A_45 : vector<1024x128xf32>
      %max3A_54 = arith.maximumf %max3A_45, %slice3A_52 : vector<1024x128xf32>
      %mul3A_55 = arith.constant 8 : i32
      %mul3A_56 = arith.muli %arg0, %mul3A_55 : i32
      %add3A_57 = arith.constant 3 : i32
      %add3A_58 = arith.addi %mul3A_56, %add3A_57 : i32
      %broadcast_in_dim3A_59 = vector.broadcast %add3A_58 : i32 to vector<1024x128xi32>
      %select_n3A_60 = arith.select %gt3A_53, %broadcast_in_dim3A_59, %select_n3A_51 : vector<1024x128xi1>, vector<1024x128xi32>
      %slice3A_61 = vector.extract_strided_slice %select_n3A {offsets = [0, 512], sizes = [1024, 128], strides = [1, 1]} : vector<1024x1024xf32> to vector<1024x128xf32>
      %gt3A_62 = arith.cmpf ogt, %slice3A_61, %max3A_54 : vector<1024x128xf32>
      %max3A_63 = arith.maximumf %max3A_54, %slice3A_61 : vector<1024x128xf32>
      %mul3A_64 = arith.constant 8 : i32
      %mul3A_65 = arith.muli %arg0, %mul3A_64 : i32
      %add3A_66 = arith.constant 4 : i32
      %add3A_67 = arith.addi %mul3A_65, %add3A_66 : i32
      %broadcast_in_dim3A_68 = vector.broadcast %add3A_67 : i32 to vector<1024x128xi32>
      %select_n3A_69 = arith.select %gt3A_62, %broadcast_in_dim3A_68, %select_n3A_60 : vector<1024x128xi1>, vector<1024x128xi32>
      %slice3A_70 = vector.extract_strided_slice %select_n3A {offsets = [0, 640], sizes = [1024, 128], strides = [1, 1]} : vector<1024x1024xf32> to vector<1024x128xf32>
      %gt3A_71 = arith.cmpf ogt, %slice3A_70, %max3A_63 : vector<1024x128xf32>
      %max3A_72 = arith.maximumf %max3A_63, %slice3A_70 : vector<1024x128xf32>
      %mul3A_73 = arith.constant 8 : i32
      %mul3A_74 = arith.muli %arg0, %mul3A_73 : i32
      %add3A_75 = arith.constant 5 : i32
      %add3A_76 = arith.addi %mul3A_74, %add3A_75 : i32
      %broadcast_in_dim3A_77 = vector.broadcast %add3A_76 : i32 to vector<1024x128xi32>
      %select_n3A_78 = arith.select %gt3A_71, %broadcast_in_dim3A_77, %select_n3A_69 : vector<1024x128xi1>, vector<1024x128xi32>
      %slice3A_79 = vector.extract_strided_slice %select_n3A {offsets = [0, 768], sizes = [1024, 128], strides = [1, 1]} : vector<1024x1024xf32> to vector<1024x128xf32>
      %gt3A_80 = arith.cmpf ogt, %slice3A_79, %max3A_72 : vector<1024x128xf32>
      %max3A_81 = arith.maximumf %max3A_72, %slice3A_79 : vector<1024x128xf32>
      %mul3A_82 = arith.constant 8 : i32
      %mul3A_83 = arith.muli %arg0, %mul3A_82 : i32
      %add3A_84 = arith.constant 6 : i32
      %add3A_85 = arith.addi %mul3A_83, %add3A_84 : i32
      %broadcast_in_dim3A_86 = vector.broadcast %add3A_85 : i32 to vector<1024x128xi32>
      %select_n3A_87 = arith.select %gt3A_80, %broadcast_in_dim3A_86, %select_n3A_78 : vector<1024x128xi1>, vector<1024x128xi32>
      %slice3A_88 = vector.extract_strided_slice %select_n3A {offsets = [0, 896], sizes = [1024, 128], strides = [1, 1]} : vector<1024x1024xf32> to vector<1024x128xf32>
      %gt3A_89 = arith.cmpf ogt, %slice3A_88, %max3A_81 : vector<1024x128xf32>
      %max3A_90 = arith.maximumf %max3A_81, %slice3A_88 : vector<1024x128xf32>
      %mul3A_91 = arith.constant 8 : i32
      %mul3A_92 = arith.muli %arg0, %mul3A_91 : i32
      %add3A_93 = arith.constant 7 : i32
      %add3A_94 = arith.addi %mul3A_92, %add3A_93 : i32
      %broadcast_in_dim3A_95 = vector.broadcast %add3A_94 : i32 to vector<1024x128xi32>
      %select_n3A_96 = arith.select %gt3A_89, %broadcast_in_dim3A_95, %select_n3A_87 : vector<1024x128xi1>, vector<1024x128xi32>
      %swap3A = arith.constant 0 : index
      %swap3A_97 = arith.constant 0 : index
      %swap3A_98 = vector.load %arg7[%swap3A, %swap3A_97] : memref<1024x128xf32, #tpu.memory_space<vmem>>, vector<1024x128xf32>
      tpu.vector_store %arg7[%swap3A, %swap3A_97], %max3A_90 {strides = array<i32>} : memref<1024x128xf32, #tpu.memory_space<vmem>>, vector<1024x128xf32>,
      %swap3A_99 = arith.constant 0 : index
      %swap3A_100 = arith.constant 0 : index
      %swap3A_101 = vector.load %arg8[%swap3A_99, %swap3A_100] : memref<1024x128xi32, #tpu.memory_space<vmem>>, vector<1024x128xi32>
      tpu.vector_store %arg8[%swap3A_99, %swap3A_100], %select_n3A_96 {strides = array<i32>} : memref<1024x128xi32, #tpu.memory_space<vmem>>, vector<1024x128xi32>,
      %get3A_102 = arith.constant 0 : index
      %get3A_103 = arith.constant 0 : index
      %get3A_104 = vector.load %arg7[%get3A_102, %get3A_103] : memref<1024x128xf32, #tpu.memory_space<vmem>>, vector<1024x128xf32>
      %get3A_105 = arith.constant 0 : index
      %get3A_106 = arith.constant 0 : index
      %get3A_107 = vector.load %arg8[%get3A_105, %get3A_106] : memref<1024x128xi32, #tpu.memory_space<vmem>>, vector<1024x128xi32>
      %reduce_max3A = arith.constant dense<0xFF800000> : vector<1024xf32>
      %reduce_max3A_108 = vector.multi_reduction <maximumf>, %get3A_104, %reduce_max3A [1] : vector<1024x128xf32> to vector<1024xf32>
      %broadcast_in_dim3A_109 = vector.shape_cast %reduce_max3A_108 : vector<1024xf32> to vector<1024x1xf32>
      %iota3A_110 = tpu.iota {dimensions = array<i32: 1>} : vector<1024x128xi32>
      %mul3A_111 = arith.constant 128 : i32
      %mul3A_112 = vector.broadcast %mul3A_111 : i32 to vector<1024x128xi32>
      %mul3A_113 = arith.muli %get3A_107, %mul3A_112 : vector<1024x128xi32>
      %add3A_114 = arith.addi %mul3A_113, %iota3A_110 : vector<1024x128xi32>
      %eq3A_115 = vector.broadcast %broadcast_in_dim3A_109 : vector<1024x1xf32> to vector<1024x128xf32>
      %eq3A_116 = arith.cmpf oeq, %get3A_104, %eq3A_115 : vector<1024x128xf32>
      %jit3A_117 = arith.constant 1073741824 : i32
      %broadcast_in_dim3A_118 = vector.broadcast %jit3A_117 : i32 to vector<1024x128xi32>
      %select_n3A_119 = arith.select %eq3A_116, %add3A_114, %broadcast_in_dim3A_118 : vector<1024x128xi1>, vector<1024x128xi32>
      %reduce_min3A = arith.constant dense<2147483647> : vector<1024xi32>
      %reduce_min3A_120 = vector.multi_reduction <minsi>, %select_n3A_119, %reduce_min3A [1] : vector<1024x128xi32> to vector<1024xi32>
      %broadcast_in_dim3A_121 = vector.shape_cast %reduce_min3A_120 : vector<1024xi32> to vector<1024x1xi32>
      %swap3A_122 = arith.constant 0 : index
      %swap3A_123 = arith.constant 0 : index
      %swap3A_124 = vector.load %arg5[%swap3A_122, %swap3A_123] : memref<1024x1xi32, #tpu.memory_space<vmem>>, vector<1024x1xi32>
      tpu.vector_store %arg5[%swap3A_122, %swap3A_123], %broadcast_in_dim3A_121 {strides = array<i32>} : memref<1024x1xi32, #tpu.memory_space<vmem>>, vector<1024x1xi32>,
    } else {
    }
    return
  }
  func.func @transform_0(%arg0: i32) -> (i32, i32) {
    %c0_i32 = arith.constant 0 : i32
    %c0_i32_0 = arith.constant 0 : i32
    %c0_i32_1 = arith.constant 0 : i32
    return %c0_i32, %c0_i32_0 : i32, i32
  }
  func.func @transform_1(%arg0: i32) -> (i32, i32) {
    %c0_i32 = arith.constant 0 : i32
    %c0_i32_0 = arith.constant 0 : i32
    %c0_i32_1 = arith.constant 0 : i32
    return %c0_i32, %c0_i32_0 : i32, i32
  }
  func.func @transform_2(%arg0: i32) -> (i32, i32) {
    %c0_i32 = arith.constant 0 : i32
    %c0_i32_0 = arith.constant 0 : i32
    %c0_i32_1 = arith.constant 0 : i32
    return %c0_i32, %c0_i32_0 : i32, i32
  }
  func.func @transform_3(%arg0: i32) -> (i32, i32) {
    %c0_i32 = arith.constant 0 : i32
    %c0_i32_0 = arith.constant 0 : i32
    return %arg0, %c0_i32 : i32, i32
  }
  func.func @transform_4(%arg0: i32) -> (i32, i32) {
    %c0_i32 = arith.constant 0 : i32
    %c0_i32_0 = arith.constant 0 : i32
    %c0_i32_1 = arith.constant 0 : i32
    return %c0_i32, %c0_i32_0 : i32, i32
  }
}

module attributes {stable_mosaic.version = 14 : i64} {
  func.func @_cosine_body(%arg0: memref<1024x16xf32, #tpu.memory_space<vmem>>, %arg1: memref<1024x16xf32, #tpu.memory_space<vmem>>, %arg2: memref<1x1xf32, #tpu.memory_space<vmem>>, %arg3: memref<1x1xf32, #tpu.memory_space<vmem>>) attributes {dimension_semantics = [], scalar_prefetch = 0 : i64, scratch_operands = 0 : i64, tpu.core_type = #tpu.core_type<tc>} {
    %get3A = arith.constant 0 : index
    %get3A_0 = arith.constant 0 : index
    %get3A_1 = vector.load %arg0[%get3A, %get3A_0] : memref<1024x16xf32, #tpu.memory_space<vmem>>, vector<1024x16xf32>
    %get3A_2 = arith.constant 0 : index
    %get3A_3 = arith.constant 0 : index
    %get3A_4 = vector.load %arg1[%get3A_2, %get3A_3] : memref<1024x16xf32, #tpu.memory_space<vmem>>, vector<1024x16xf32>
    %mul3A = arith.mulf %get3A_1, %get3A_4 : vector<1024x16xf32>
    %reduce_sum3A = arith.constant dense<0.000000e+00> : vector<1024xf32>
    %reduce_sum3A_5 = vector.multi_reduction <add>, %mul3A, %reduce_sum3A [1] : vector<1024x16xf32> to vector<1024xf32>
    %broadcast_in_dim3A = vector.shape_cast %reduce_sum3A_5 : vector<1024xf32> to vector<1024x1xf32>
    %mul3A_6 = arith.mulf %get3A_1, %get3A_1 : vector<1024x16xf32>
    %reduce_sum3A_7 = arith.constant dense<0.000000e+00> : vector<1024xf32>
    %reduce_sum3A_8 = vector.multi_reduction <add>, %mul3A_6, %reduce_sum3A_7 [1] : vector<1024x16xf32> to vector<1024xf32>
    %broadcast_in_dim3A_9 = vector.shape_cast %reduce_sum3A_8 : vector<1024xf32> to vector<1024x1xf32>
    %sqrt3A = math.sqrt %broadcast_in_dim3A_9 : vector<1024x1xf32>
    %mul3A_10 = arith.mulf %get3A_4, %get3A_4 : vector<1024x16xf32>
    %reduce_sum3A_11 = arith.constant dense<0.000000e+00> : vector<1024xf32>
    %reduce_sum3A_12 = vector.multi_reduction <add>, %mul3A_10, %reduce_sum3A_11 [1] : vector<1024x16xf32> to vector<1024xf32>
    %broadcast_in_dim3A_13 = vector.shape_cast %reduce_sum3A_12 : vector<1024xf32> to vector<1024x1xf32>
    %sqrt3A_14 = math.sqrt %broadcast_in_dim3A_13 : vector<1024x1xf32>
    %max3A = arith.constant 9.99999997E-7 : f32
    %max3A_15 = vector.broadcast %max3A : f32 to vector<1024x1xf32>
    %max3A_16 = arith.maximumf %sqrt3A, %max3A_15 : vector<1024x1xf32>
    %max3A_17 = arith.constant 9.99999997E-7 : f32
    %max3A_18 = vector.broadcast %max3A_17 : f32 to vector<1024x1xf32>
    %max3A_19 = arith.maximumf %sqrt3A_14, %max3A_18 : vector<1024x1xf32>
    %mul3A_20 = arith.mulf %max3A_16, %max3A_19 : vector<1024x1xf32>
    %div3A = arith.divf %broadcast_in_dim3A, %mul3A_20 : vector<1024x1xf32>
    %add3A = arith.constant 1.000000e+00 : f32
    %add3A_21 = vector.broadcast %add3A : f32 to vector<1024x1xf32>
    %add3A_22 = arith.addf %div3A, %add3A_21 : vector<1024x1xf32>
    %mul3A_23 = arith.constant 5.000000e-01 : f32
    %mul3A_24 = vector.broadcast %mul3A_23 : f32 to vector<1024x1xf32>
    %mul3A_25 = arith.mulf %add3A_22, %mul3A_24 : vector<1024x1xf32>
    %sub3A = arith.constant 5.000000e-01 : f32
    %sub3A_26 = vector.broadcast %sub3A : f32 to vector<1024x1xf32>
    %sub3A_27 = arith.subf %mul3A_25, %sub3A_26 : vector<1024x1xf32>
    %integer_pow3A = arith.mulf %sub3A_27, %sub3A_27 : vector<1024x1xf32>
    %reduce_sum3A_28 = vector.shape_cast %integer_pow3A : vector<1024x1xf32> to vector<1x1024x1xf32>
    %reduce_sum3A_29 = arith.constant dense<0.000000e+00> : vector<1xf32>
    %reduce_sum3A_30 = vector.multi_reduction <add>, %reduce_sum3A_28, %reduce_sum3A_29 [1, 2] : vector<1x1024x1xf32> to vector<1xf32>
    %reduce_sum3A_31 = vector.shape_cast %reduce_sum3A_30 : vector<1xf32> to vector<1x1x1xf32>
    %reduce_sum3A_32 = vector.extract %reduce_sum3A_31[0, 0, 0] : f32 from vector<1x1x1xf32>
    %div3A_33 = arith.constant 1.024000e+03 : f32
    %div3A_34 = arith.divf %reduce_sum3A_32, %div3A_33 : f32
    %reshape3A = vector.broadcast %div3A_34 : f32 to vector<1x1xf32>
    %swap3A = arith.constant 0 : index
    %swap3A_35 = arith.constant 0 : index
    %swap3A_36 = vector.load %arg2[%swap3A, %swap3A_35] : memref<1x1xf32, #tpu.memory_space<vmem>>, vector<1x1xf32>
    tpu.vector_store %arg2[%swap3A, %swap3A_35], %reshape3A {strides = array<i32>} : memref<1x1xf32, #tpu.memory_space<vmem>>, vector<1x1xf32>,
    %reduce_sum3A_37 = vector.shape_cast %mul3A_25 : vector<1024x1xf32> to vector<1x1024x1xf32>
    %reduce_sum3A_38 = arith.constant dense<0.000000e+00> : vector<1xf32>
    %reduce_sum3A_39 = vector.multi_reduction <add>, %reduce_sum3A_37, %reduce_sum3A_38 [1, 2] : vector<1x1024x1xf32> to vector<1xf32>
    %reduce_sum3A_40 = vector.shape_cast %reduce_sum3A_39 : vector<1xf32> to vector<1x1x1xf32>
    %reduce_sum3A_41 = vector.extract %reduce_sum3A_40[0, 0, 0] : f32 from vector<1x1x1xf32>
    %div3A_42 = arith.constant 1.024000e+03 : f32
    %div3A_43 = arith.divf %reduce_sum3A_41, %div3A_42 : f32
    %reshape3A_44 = vector.broadcast %div3A_43 : f32 to vector<1x1xf32>
    %swap3A_45 = arith.constant 0 : index
    %swap3A_46 = arith.constant 0 : index
    %swap3A_47 = vector.load %arg3[%swap3A_45, %swap3A_46] : memref<1x1xf32, #tpu.memory_space<vmem>>, vector<1x1xf32>
    tpu.vector_store %arg3[%swap3A_45, %swap3A_46], %reshape3A_44 {strides = array<i32>} : memref<1x1xf32, #tpu.memory_space<vmem>>, vector<1x1xf32>,
    return
  }
}

</mosaic_0001>

<sc_bundles>
// kernel: kernel.5.cloned.1.call-start
scs
__scs_entry_jumppad:
0x0: {  	(pc) =	sbr.rel $0x88, $3  }
0x1: {  	(tag) =	ssettag $0x0;
	lr =	simm.s32 $0x1  }
0x2: {  	[smem:$0x3F9A] =	sst lr;
	_ =	strace $0xD0000000  }
0x3: {  	_ = 	snop  }
0x4: {  	_ = 	snop  }
0x5: {  	_ = 	snop  }
0x6: {  	_ = 	snop  }
0x7: {  	_ = 	snop  }
__scs_overlays_trampoline_lowered:
0x8: {  	[smem:$0x3FA9] =	sst s0  }
0x9: {  	[smem:$0x3FAA] =	sst s1  }
0xa: {  	[smem:$0x3FAB] =	sst s2  }
0xb: {  	[smem:$0x3FAC] =	sst s3  }
0xc: {  	[smem:$0x3FAD] =	sst s4  }
0xd: {  	[smem:$0x3FAE] =	sst s5  }
0xe: {  	[smem:$0x3FAF] =	sst s6  }
0xf: {  	[smem:$0x3FB0] =	sst s7  }
0x10: {  	[smem:$0x3FB1] =	sst s8  }
0x11: {  	[smem:$0x3FB2] =	sst s9;
	s0 =	simm.s32 @!p0 $0x0  }
0x12: {  	s1 =	sld [smem:$0x3F98];
	s0 =	simm.s32 @p0 $0x1  }
0x13: {  	[smem:$0x3FB3] =	sst s0;
	s0 =	simm.s32 @!p1 $0x0  }
0x14: {  	s2 =	sld [smem:$0x3F97];
	s0 =	simm.s32 @p1 $0x1  }
0x15: {  	[smem:$0x3FB4] =	sst s0;
	s0 =	simm.s32 @!p2 $0x0  }
0x16: {  	s3 =	sld [smem:$0x3FDB];
	s0 =	simm.s32 @p2 $0x1  }
0x17: {  	s4 =	simm.s32 $0x1BF5;
	[smem:$0x3FB6] =	sst s0  }
0x18: {  	s0 =	sld [smem:$0x3F99];
	_ =	swait.ge [sflag:s4], $0x0  }
0x19: {  	s7 =	sld [smem:$0x3F9A]  }
0x1a: {  	s8 =	sadd.s32 $0xFFFFE003, lr  }
0x1b: {  	s9 =	sadd.s32 $0xFFFFFEF7, lr;
	s5 =	simm.s32 $0xFFFFFFFF;
	p2 =	slt.u32 s8, $0xFFFFF086  }
0x1c: {  	p1 =	slt.u32 s9, $0xF7A;
	s5 =	simm.s32 @!p2 $0x0  }
0x1d: {  	s5 =	simm.s32 @p1 $0x1;
	p0 =	seq.s32 s7, s2  }
0x1e: {  	s7 =	smul.u32 @!p0 $0xF7A, s2;
	p2 =	seq.s32 @!p0 s5, $0x0  }
0x1f: {  	s9 =	smul.u32 $0xF7A, s1;
	s8 =	simm.s32 @!p0 $0x1BF5;
	p2 =	por !p2, p0  }
0x20: {  	[sflag:s8] =	ssyncset.s32 @!p0 $0xFFFFF086;
	s6 =	sadd.s32 @!p0 s3, s7;
	s7 =	simm.s32 @!p0 $0x108  }
0x21: {  	s3 =	sadd.s32 s3, s9;
	s6 =	sadd.s32 @!p0 $0x88, s6;
	s7 =	simm.s32 @p2 $0x1082  }
0x22: {  	[simem:s7], [sflag:s8] =	dma.local @!p0 [hbm:s6], $0xF7A  }
0x23: {  	s9 =	sor.u32 $0xD0000000, s2;
	s6 =	simm.s32 $0x108;
	_ =	swait.ge @!p0 [sflag:s8], $0x0  }
0x24: {  	s3 =	sadd.s32 $0x88, s3;
	s6 =	simm.s32 @!p1 $0x1082;
	[sflag:s4] =	ssyncset.s32 $0xFFFFF086  }
0x25: {  	[simem:s6], [sflag:s4] =	dma.local [hbm:s3], $0xF7A  }
0x26: {  	[smem:$0x3F9A] =	sst s1;
	(tag) =	ssettag s2;
	_ =	strace s9  }
0x27: {  	s1 =	sld [smem:$0x3FAA]  }
0x28: {  	s2 =	sld [smem:$0x3FAB]  }
0x29: {  	s4 =	sld [smem:$0x3FAD]  }
0x2a: {  	p0 =	seq.s32 s5, $0x0;
	s5 =	sld [smem:$0x3FAE]  }
0x2b: {  	s6 =	sld [smem:$0x3FAF]  }
0x2c: {  	s7 =	sld [smem:$0x3FB0]  }
0x2d: {  	s3 =	simm.s32 $0x108;
	s8 =	sld [smem:$0x3FB1]  }
0x2e: {  	s3 =	simm.s32 @!p0 $0x1082;
	s9 =	sld [smem:$0x3FB2]  }
0x2f: {  	lr =	sadd.s32 s0, s3;
	s0 =	sld [smem:$0x3FA9]  }
0x30: {  	s3 =	sld [smem:$0x3FAC]  }
0x31: {  	[smem:$0x3FB5] =	sst s10  }
0x32: {  	s10 =	sld [smem:$0x3FB3];
	_ =	sdelay $0x3  }
0x33: {  	p0 =	seq.s32 s10, $0x1;
	s10 =	sld [smem:$0x3FB5];
	_ =	sdelay $0x3  }
0x34: {  	[smem:$0x3FB5] =	sst s10  }
0x35: {  	s10 =	sld [smem:$0x3FB4];
	_ =	sdelay $0x3  }
0x36: {  	p1 =	seq.s32 s10, $0x1;
	s10 =	sld [smem:$0x3FB5];
	_ =	sdelay $0x3  }
0x37: {  	[smem:$0x3FB5] =	sst s10  }
0x38: {  	s10 =	sld [smem:$0x3FB6]  }
0x39: {  	_ = 	snop;
	(pc) =	sbr.ind lr, $3  }
0x3a: {  	_ = 	snop  }
0x3b: {  	_ = 	snop  }
0x3c: {  	p2 =	seq.s32 s10, $0x1;
	s10 =	sld [smem:$0x3FB5]  }
0x3d: {  	_ =	shalt  }
0x3e: {  	_ =	shalt  }
0x3f: {  	_ =	shalt  }
0x40: {  	_ =	shalt  }
0x41: {  	_ =	shalt  }
0x42: {  	_ =	shalt  }
0x43: {  	_ =	shalt  }
0x44: {  	_ =	shalt  }
0x45: {  	_ =	shalt  }
0x46: {  	_ =	shalt  }
0x47: {  	_ =	shalt  }
0x48: {  	_ =	shalt  }
0x49: {  	_ =	shalt  }
0x4a: {  	_ =	shalt  }
0x4b: {  	_ =	shalt  }
0x4c: {  	_ =	shalt  }
0x4d: {  	_ =	shalt  }
0x4e: {  	_ =	shalt  }
0x4f: {  	_ =	shalt  }
0x50: {  	_ =	shalt  }
0x51: {  	_ =	shalt  }
0x52: {  	_ =	shalt  }
0x53: {  	_ =	shalt  }
0x54: {  	_ =	shalt  }
0x55: {  	_ =	shalt  }
0x56: {  	_ =	shalt  }
0x57: {  	_ =	shalt  }
0x58: {  	_ =	shalt  }
0x59: {  	_ =	shalt  }
0x5a: {  	_ =	shalt  }
0x5b: {  	_ =	shalt  }
0x5c: {  	_ =	shalt  }
0x5d: {  	_ =	shalt  }
0x5e: {  	_ =	shalt  }
0x5f: {  	_ =	shalt  }
0x60: {  	_ =	shalt  }
0x61: {  	_ =	shalt  }
0x62: {  	_ =	shalt  }
0x63: {  	_ =	shalt  }
0x64: {  	_ =	shalt  }
0x65: {  	_ =	shalt  }
0x66: {  	_ =	shalt  }
0x67: {  	_ =	shalt  }
0x68: {  	_ =	shalt  }
0x69: {  	_ =	shalt  }
0x6a: {  	_ =	shalt  }
0x6b: {  	_ =	shalt  }
0x6c: {  	_ =	shalt  }
0x6d: {  	_ =	shalt  }
0x6e: {  	_ =	shalt  }
0x6f: {  	_ =	shalt  }
0x70: {  	_ =	shalt  }
0x71: {  	_ =	shalt  }
0x72: {  	_ =	shalt  }
0x73: {  	_ =	shalt  }
0x74: {  	_ =	shalt  }
0x75: {  	_ =	shalt  }
0x76: {  	_ =	shalt  }
0x77: {  	_ =	shalt  }
0x78: {  	_ =	shalt  }
0x79: {  	_ =	shalt  }
0x7a: {  	_ =	shalt  }
0x7b: {  	_ =	shalt  }
0x7c: {  	_ =	shalt  }
0x7d: {  	_ =	shalt  }
0x7e: {  	_ =	shalt  }
0x7f: {  	_ =	shalt  }
0x80: {  	_ =	shalt  }
0x81: {  	_ =	shalt  }
0x82: {  	_ =	shalt  }
0x83: {  	_ =	shalt  }
0x84: {  	_ =	shalt  }
0x85: {  	_ =	shalt  }
0x86: {  	_ =	shalt  }
0x87: {  	_ =	shalt  }
.Lfunc_end0:
.L_simem_size_0:
called_computation_lowered:
.L_overlay_start_0:
0x88: {  	s2 =	sld [smem:$0x3FD9]  }
0x89: {  	s3 =	sld [smem:$0x3FFE];
	_ =	sdelay $0x1  }
0x8a: {  	s1 =	srdreg.scid  }
0x8b: {  	s0 =	sand.u32 $0x1, s1  }
0x8c: {  	s16 =	sshll.u32 s0, $0xA;
	s2 =	sadd.s32 s3, s2  }
0x8d: {  	s2 =	sadd.s32 s2, s16  }
0x8e: {  	[smem:$0x3FC1] =	sst s2  }
0x8f: {  	_ = 	snop  }
0x90: {  	(tm) =	ssettm $0x1  }
0x91: {  	s17 =	sld [smem:$0x3FFB];
	_ =	sdelay $0x3  }
0x92: {  	_ =	strace s17  }
0x93: {  	s2 =	sld [smem:$0x3FFC];
	_ =	sdelay $0x3  }
0x94: {  	_ =	strace s2  }
0x95: {  	s2 =	sld [smem:$0x3FFD];
	_ =	sdelay $0x3  }
0x96: {  	_ =	strace s2  }
0x97: {  	_ =	strace $0x8FFFFFFF  }
0x98: {  	s18 =	sld [smem:$0x3FDB];
	_ =	sdelay $0x1  }
0x99: {  	s19 =	simm.s32 $_scs_section_size  }
0x9a: {  	s4 =	simm.s32 $_size__tile_overlayer_lowered;
	s5 =	simm.s32 $_tile_overlayer_lowered  }
0x9b: {  	s22 =	simm.s32 $0x1BFF;
	s21 =	sshll.u32 s5, $0x1;
	s2 =	sadd.s32 s19, s18  }
0x9c: {  	s6 =	simm.s32 $0x0;
	s20 =	sshll.u32 s4, $0x1;
	s4 =	sadd.s32 s21, s2  }
0x9d: {  	[timem:s6], [sflag:s22] =	dma.local [hbm:s4], s20  }
0x9e: {  	_ =	swait.ge [sflag:s22], s20  }
0x9f: {  	s3 =	ssub.s32 $0x0, s20;
	[sflag:s22] =	ssyncset.done $0x0  }
0xa0: {  	[sflag:s22] =	ssyncadd.s32 s3;
	_ =	sdelay $0x1  }
0xa1: {  	s23 =	simm.s32 $0x1B8B  }
0xa2: {  	_ =	swait.ge [sflag:s23], $0x1  }
0xa3: {  	[sflag:s23] =	ssyncset.done $0x0  }
0xa4: {  	s25 =	simm.s32 $0x1B8E;
	s24 =	sld [smem:$0x3FFE];
	[sflag:s23] =	ssyncadd.s32 $0xFFFFFFFF  }
0xa5: {  	s26 =	simm.s32 $execute0_lowered;
	[smem:$0x3FD2] =	sst s25  }
0xa6: {  	s4 =	sshll.u32 s26, $0x1;
	_ =	strace $0x80000046;
	[dreg:$0x1] =	wrdreg $0xFFFFFFFF  }
0xa7: {  	s28 =	simm.s32 $_size_execute0_lowered;
	s2 =	sadd.s32 s2, s4;
	[dreg:$0x0] =	wrdreg $0x0  }
0xa8: {  	s4 =	sshll.u32 s28, $0x1;
	[dreg:$0x2] =	wrdreg s2  }
0xa9: {  	[dreg:$0x3] =	wrdreg s4  }
0xaa: {  	[dreg:$0x4] =	wrdreg $0xC0  }
0xab: {  	_ =	task [dreg:s6], $0x5FFFF  }
0xac: {  	[dreg:$0x1] =	wrdreg $0xFFFFFFFF  }
0xad: {  	[dreg:$0x0] =	wrdreg $0x60  }
0xae: {  	[dreg:$0x2] =	wrdreg s24  }
0xaf: {  	[dreg:$0x3] =	wrdreg $0x9  }
0xb0: {  	_ =	task.clear_ibuf [dreg:s6], $0x4FFFF;
	_ =	strace $0x90000046  }
0xb1: {  	s29 =	simm.s32 $0x9;
	_ =	strace $0x80000048  }
0xb2: {  	_ =	swait.ge [sflag:s29], $0x1  }
0xb3: {  	[sflag:s29] =	ssyncadd.s32 $0xFFFFFFFF  }
0xb4: {  	_ =	strace $0x90000048  }
0xb5: {  	_ =	sfence  }
0xb6: {  	s30 =	sld [smem:$0x0];
	_ =	sdelay $0x2  }
0xb7: {  	s31 =	sshll.u32 s1, $0xD;
	s1 =	sshrl.u32 s1, $0x2  }
0xb8: {  	s3 =	sand.u32 $0x4000, s31;
	s1 =	sadd.s32 s1, s30  }
0xb9: {  	s0 =	sor.u32 s3, s0;
	s1 =	sshll.u32 s1, $0x11  }
0xba: {  	s0 =	sor.u32 s1, s0  }
0xbb: {  	s0 =	sadd.s32 $0x8F2B, s0  }
0xbc: {  	[sflag:s0] =	ssyncadd.remote.s32 $0x1  }
0xbd: {  	_ =	sfence.sel $0xFFFF  }
0xbe: {  	[dreg:$0x0] =	wrdreg $0xFFFFFFFF;
	(pc) =	sbr.abs _section_cstart, $3  }
0xbf: {  	[dreg:$0x1] =	wrdreg $0xFFFFFFFF  }
0xc0: {  	_ =	task.clear_ibuf [dreg:s6], $0x2FFFF;
	_ =	strace $0x9FFFFFFF  }
0xc1: {  	(tm) =	ssettm $0x7FFFFFFF  }
tec
execute0_lowered:
.L_overlay_start_1:
0x0: {  	(tag) =	ssettag $0x1  }
0x1: {  	s1 =	srdreg.scid  }
0x2: {  	s0 =	stileid.u32;
	s6 =	sand.u32 $0x1, s1  }
0x3: {  	s8 =	rddreg [dreg:$0x0];
	s30 =	sshll.u32 s0, $0x7;
	s2 =	sshll.u32 s6, $0x6  }
0x4: {  	s7 =	simm.s32 $0x1;
	s1 =	rddreg [dreg:$0x1];
	s9 =	sor.u32 s2, s30  }
0x5: {  	s5 =	sadd.s32 $0x187A00, s8;
	s2 =	simm.s32 $0x0;
	s3 =	sshrl.u32 s9, $0x3  }
0x6: {  	s10 =	ssub.s32 $0x2, s6;
	[smem:$0x7FF] =	sst s2;
	s3 =	sadd.s32 s3, s8  }
0x7: {  	_ =	strace $0x80000047;
	s4 =	sadd.s32 $0x1000, s3;
	s3 =	simm.s32 $0x2  }
0x8: {  	[tilespmem:s2], [sflag:$0x2] =	stream.linear.gather [hbm4b:s4+s2], $0x40, $0x38;
	[tilespmem:$0x440] =	vst v63  }
0x9: {  	s6 =	simm.s32 $0x40;
	s11 =	sshrl.u32 s10, $0x1;
	_ =	swait.ge [sflag:s3], $0x40  }
0xa: {  	s9 =	sshll.u32 s9, $0x1;
	s31 =	ssub.s32 s10, s11;
	[sflag:s3] =	ssyncset.done $0x0  }
0xb: {  	s8 =	sadd.s32 s9, s8;
	s9 =	smax.u32 s31, $0x1;
	[sflag:s3] =	ssyncadd.s32 $0xFFFFFFC0  }
0xc: {  	[tilespmem:s6], [sflag:$0x1] =	stream.indirect.gather [hbm4b:s5+s6], $0x10, s2, s6, $0xb8;
	[tilespmem:$0x440] =	vst v63  }
0xd: {  	p0 =	sne.s32 s9, $0x1;
	_ =	swait.ge [sflag:s7], $0x400  }
.Ltmp0:
0xe: {  	[sflag:s7] =	ssyncset.done $0x0;
	(pc) =	sbr.rel @!p0 .LBB2_2-.Ltmp0, $4  }
0xf: {  	s8 =	sadd.s32 $0x1200, s8;
	[sflag:s7] =	ssyncadd.s32 $0xFFFFFC00  }
0x10: {  	[hbm4b:s8+s2] =	stream.linear.scatter [tilespmem:s6], [sflag:$0x2], $0x400, $0x38;
	[tilespmem:$0x440] =	vst v63  }
0x11: {  	_ =	swait.ge [sflag:s3], $0x400  }
0x12: {  	s9 =	sadd.s32 $0xFFFFFFFF, s9;
	[sflag:s3] =	ssyncset.done $0x0  }
.LBB2_1:
0x13: {  	p0 =	sne.s32 s9, $0x1;
	s9 =	sadd.s32 $0xFFFFFFFF, s9;
	[sflag:s3] =	ssyncadd.s32 $0xFFFFFC00  }
0x14: {  	[tilespmem:s2], [sflag:$0x2] =	stream.linear.gather [hbm4b:s4+s2], $0x40, $0x38;
	[tilespmem:$0x440] =	vst v63  }
0x15: {  	_ =	swait.ge [sflag:s3], $0x40  }
0x16: {  	[sflag:s3] =	ssyncset.done $0x0  }
0x17: {  	[sflag:s3] =	ssyncadd.s32 $0xFFFFFFC0  }
0x18: {  	[tilespmem:s6], [sflag:$0x1] =	stream.indirect.gather [hbm4b:s5+s6], $0x10, s2, s6, $0xb8;
	[tilespmem:$0x440] =	vst v63  }
0x19: {  	_ =	swait.ge [sflag:s7], $0x400  }
.Ltmp1:
0x1a: {  	[sflag:s7] =	ssyncset.done $0x0;
	(pc) =	sbr.rel @p0 .LBB2_1-.Ltmp1, $4  }
0x1b: {  	[sflag:s7] =	ssyncadd.s32 $0xFFFFFC00  }
0x1c: {  	[hbm4b:s8+s2] =	stream.linear.scatter [tilespmem:s6], [sflag:$0x2], $0x400, $0x38;
	[tilespmem:$0x440] =	vst v63  }
0x1d: {  	_ =	swait.ge [sflag:s3], $0x400  }
0x1e: {  	[sflag:s3] =	ssyncset.done $0x0  }
.LBB2_2:
0x1f: {  	[sflag:s3] =	ssyncadd.s32 $0xFFFFFC00  }
0x20: {  	_ =	sfence.sel $0x180000  }
0x21: {  	[bflag:$0x0] =	sbarrier.arrive $0xFFFF  }
0x22: {  	p0 =	sne.s32 s0, $0x0;
	_ =	strace $0x90000047  }
0x23: {  	s0 =	sadd.s32 @!p0 $0x100000, s1;
	[bflag:$0x2] =	sbarrier.arrive $0xFFFF  }
0x24: {  	[sflag:s0] =	ssyncadd.tile.s32 @!p0 $0x1;
	_ =	shalt  }
.Lfunc_end2:
_tile_overlayer_lowered:
.L_overlay_start_2:
0x25: {  	(tag) =	ssettag $0x2  }
0x26: {  	s0 =	rddreg [dreg:$0x0];
	s2 =	stileid.u32  }
0x27: {  	s1 =	rddreg [dreg:$0x1];
	p0 =	sne.s32 s2, $0x0  }
0x28: {  	s3 =	rddreg [dreg:$0x2];
	[bflag:$0x3] =	sbarrier.arrive $0xFFFF;
	s2 =	simm.s32 @!p0 $0x1C02  }
0x29: {  	[timem:s3], [sflag:s2] =	dma.local @!p0 [hbm:s0], s1  }
0x2a: {  	s0 =	simm.s32 @!p0 $0x2  }
0x2b: {  	_ =	swait.ge @!p0 [sflag:s0], s1  }
0x2c: {  	s1 =	ssub.s32 @!p0 $0x0, s1;
	[sflag:s0] =	ssyncset.done @!p0 $0x0  }
0x2d: {  	[sflag:s0] =	ssyncadd.s32 @!p0 s1  }
0x2e: {  	[bflag:$0x3] =	sbarrier.arrive $0xFFFF  }
0x2f: {  	_ =	shalt  }

</sc_bundles>
